<compile_context>
chip_gen: v7x
topology: tpu7x:2x2x1
jax: 0.10.2.dev20260603
libtpu: 0.0.44.dev20260713+nightly
codegen_flags: <defaults>
</compile_context>

<pallas_src>
import functools

import jax
import jax.numpy as jnp
from jax import lax
from jax.experimental import pallas as pl
from jax.experimental.pallas import tpu as pltpu
from jax.experimental.pallas import tpu_sc as plsc

N_EDGES = 320000
N_SEGMENTS = 10000
D = 128

NUM_CORES = 2
NUM_SUBCORES = 16
NUM_WORKERS = NUM_CORES * NUM_SUBCORES

CHUNK = 128
N_CHUNKS = N_EDGES // CHUNK
BASE_CPW = N_CHUNKS // NUM_WORKERS
EXTRA = N_CHUNKS - BASE_CPW * NUM_WORKERS
MAX_CPW = BASE_CPW + 1
IDS_ENV = 88
IDS_PAD = 2504
ENV_LIM = IDS_PAD - IDS_ENV

SEG_PAD = 10240
ROWS_PER_TILE = SEG_PAD // NUM_SUBCORES
WCHUNK = 128
N_WCHUNKS = ROWS_PER_TILE // WCHUNK

NBUF = 2
N_SLOTS = 80
N_GROUPS = N_SLOTS // NBUF


def _sc_segment_sum(x, ids2, zrows):
    mesh = plsc.VectorSubcoreMesh(
        core_axis_name="c", subcore_axis_name="s",
        num_cores=NUM_CORES, num_subcores=NUM_SUBCORES)

    @functools.partial(
        pl.kernel,
        out_type=jax.ShapeDtypeStruct((NUM_CORES, SEG_PAD, D), jnp.float32),
        mesh=mesh,
        scratch_types=[
            [pltpu.VMEM((CHUNK, D), jnp.float32) for _ in range(NBUF)],
            [pltpu.SemaphoreType.DMA for _ in range(NBUF)],
            pltpu.VMEM((IDS_ENV, CHUNK), jnp.int32),
            pltpu.VMEM_SHARED((SEG_PAD, D), jnp.float32),
        ],
    )
    def kern(x_hbm, ids_hbm, z_hbm, out_hbm, xbufs, sems, idbuf, pooled):
        c = lax.axis_index("c")
        s = lax.axis_index("s")
        wid = c * NUM_SUBCORES + s

        pltpu.sync_copy(z_hbm, xbufs[0])
        base_row = s * ROWS_PER_TILE

        def zero_body(j, _):
            pltpu.sync_copy(xbufs[0],
                            pooled.at[pl.ds(base_row + j * WCHUNK, WCHUNK)])
            return 0

        lax.fori_loop(0, N_WCHUNKS, zero_body, 0)

        start = wid * BASE_CPW + jnp.minimum(wid, EXTRA)
        count = BASE_CPW + jnp.where(wid < EXTRA, 1, 0)

        start_al = pl.multiple_of(
            jnp.minimum((start // 8) * 8, ENV_LIM), 8)
        off = start - start_al
        pltpu.sync_copy(ids_hbm.at[pl.ds(start_al, IDS_ENV)], idbuf)
        plsc.subcore_barrier()

        def fill(j, b):
            return pltpu.make_async_copy(
                x_hbm.at[pl.ds((start + j) * CHUNK, CHUNK)], xbufs[b], sems[b])

        for b in range(NBUF):
            fill(b, b).start()

        @pl.loop(0, N_GROUPS)
        def g_loop(g):
            for b in range(NBUF):
                j = g * NBUF + b

                @pl.when(j < count)
                def _():
                    fill(j, b).wait()
                    pltpu.sync_copy(xbufs[b], pooled.at[idbuf.at[off + j]],
                                    add=True)

                    @pl.when(j + NBUF < count)
                    def _():
                        fill(j + NBUF, b).start()

        plsc.subcore_barrier()

        def out_body(j, _):
            r = base_row + j * WCHUNK
            pltpu.sync_copy(pooled.at[pl.ds(r, WCHUNK)],
                            out_hbm.at[c, pl.ds(r, WCHUNK)])
            return 0

        lax.fori_loop(0, N_WCHUNKS, out_body, 0)

    return kern(x, ids2, zrows)


BLK = 2000


def _tc_linear_body(p_ref, w_ref, b_ref, o_ref):
    p = p_ref[0] + p_ref[1]
    o_ref[...] = lax.dot_general(
        p, w_ref[...], (((1,), (1,)), ((), ())),
        preferred_element_type=jnp.float32) + b_ref[...]


def _tc_linear(partials, W, b):
    return pl.pallas_call(
        _tc_linear_body,
        grid=(N_SEGMENTS // BLK,),
        in_specs=[
            pl.BlockSpec((NUM_CORES, BLK, D), lambda i: (0, i, 0)),
            pl.BlockSpec((D, D), lambda i: (0, 0)),
            pl.BlockSpec((1, D), lambda i: (0, 0)),
        ],
        out_specs=pl.BlockSpec((BLK, D), lambda i: (i, 0)),
        out_shape=jax.ShapeDtypeStruct((N_SEGMENTS, D), jnp.float32),
    )(partials, W, b)


@jax.jit
def kernel(x, batch, W, b):
    ids2 = batch.astype(jnp.int32).reshape(N_CHUNKS, CHUNK)
    ids2 = jnp.pad(ids2, ((0, IDS_PAD - N_CHUNKS), (0, 0)))
    zrows = jnp.zeros((WCHUNK, D), jnp.float32)
    partials = _sc_segment_sum(x, ids2, zrows)
    return _tc_linear(partials, W, b.reshape(1, D))

# --- scband reference (transcript-rebuilt; emitter-appended) ---
"""Pipeline reference for scband-simple-linear-model-16363825397931 (READ-ONLY COPY).

The authoritative reference and input builder live on the scoring server;
editing this copy changes nothing except your own understanding.
"""

import jax, jax.numpy as jnp
import numpy as np

N_EDGES = 320000
N_SEGMENTS = 10000
D_IN = 128
D_OUT = 128

def setup_inputs(seed: int = 0) -> dict:
    key = jax.random.key(seed)
    k1, k2, k3, k4 = jax.random.split(key, 4)
    x = jax.random.normal(k1, (N_EDGES, D_IN), dtype=jnp.float32)
    batch = jnp.sort(jax.random.randint(k2, (N_EDGES,), 0, N_SEGMENTS, dtype=jnp.int64))
    # Linear layer params (PyTorch nn.Linear: y = x @ W.T + b)
    bound = 1.0 / np.sqrt(D_IN)
    W = jax.random.uniform(k3, (D_OUT, D_IN), minval=-bound, maxval=bound, dtype=jnp.float32)
    b = jax.random.uniform(k4, (D_OUT,), minval=-bound, maxval=bound, dtype=jnp.float32)
    return {"x": x, "batch": batch, "W": W, "b": b}

def reference(x, batch, W, b):
    # scatter_add over dim 0 by segment id
    pooled = jax.ops.segment_sum(x, batch, num_segments=N_SEGMENTS)
    # linear
    out = pooled @ W.T + b
    return out

if __name__ == "__main__":
    import jax
    _d = setup_inputs()
    print(jax.jit(kernel)(*tuple(_d.values())))

</pallas_src>

<mosaic_0001>
#map = affine_map<(d0, d1) -> (0, 0)>
#map1 = affine_map<(d0, d1) -> (0, 0, 0)>
module attributes {stable_mosaic.version = 14 : i64} {
  func.func @kern(%arg0: i32, %arg1: i32, %arg2: memref<320000x128xf32, #tpu.memory_space<hbm>>, %arg3: memref<2504x128xi32, #tpu.memory_space<hbm>>, %arg4: memref<128x128xf32, #tpu.memory_space<hbm>>, %arg5: memref<2x10240x128xf32, #tpu.memory_space<hbm>>, %arg6: memref<128x128xf32, #tpu.memory_space<vmem>>, %arg7: memref<128x128xf32, #tpu.memory_space<vmem>>, %arg8: memref<!tpu.dma_semaphore, #tpu.memory_space<semaphore_mem>>, %arg9: memref<!tpu.dma_semaphore, #tpu.memory_space<semaphore_mem>>, %arg10: memref<88x128xi32, #tpu.memory_space<vmem>>, %arg11: memref<10240x128xf32, #tpu.memory_space<vmem_shared>>) attributes {dimension_semantics = [#tpu.dimension_semantics<core_parallel>, #tpu.dimension_semantics<subcore_parallel>], iteration_bounds = array<i64: 2, 16>, scalar_prefetch = 0 : i64, scratch_operands = 6 : i64, tpu.core_type = #tpu.core_type<sc_vector_subcore>, window_params = [{transform_indices = #map}, {transform_indices = #map}, {transform_indices = #map}, {transform_indices = #map1}]} {
    %mul3A = arith.constant 16 : i32
    %mul3A_0 = arith.muli %arg0, %mul3A : i32
    %add3A = arith.addi %mul3A_0, %arg1 : i32
    "tpu.region"() ({
      %run_scoped3A = tpu.sem_alloc : memref<!tpu.dma_semaphore, #tpu.memory_space<semaphore_mem>>
      tpu.enqueue_dma source(%arg4 : memref<128x128xf32, #tpu.memory_space<hbm>>) target(%arg6 : memref<128x128xf32, #tpu.memory_space<vmem>>) target_semaphore(%run_scoped3A : memref<!tpu.dma_semaphore, #tpu.memory_space<semaphore_mem>>)
      tpu.wait_dma2 semaphore(%run_scoped3A : memref<!tpu.dma_semaphore, #tpu.memory_space<semaphore_mem>>) src(%arg4 : memref<128x128xf32, #tpu.memory_space<hbm>>) dst(%arg6 : memref<128x128xf32, #tpu.memory_space<vmem>>)
      tpu.yield
    }) : () -> ()
    %mul3A_1 = arith.constant 640 : i32
    %mul3A_2 = arith.muli %arg1, %mul3A_1 : i32
    %scan3A = arith.constant 0 : i32
    %scan3A_3 = arith.constant 0 : i32
    %scan3A_4 = arith.constant 5 : i32
    %scan3A_5 = arith.addi %scan3A_3, %scan3A_4 : i32
    %scan3A_6 = arith.constant 1 : i32
    %scan3A_7 = scf.for %scan3A_68 = %scan3A_3 to %scan3A_5 step %scan3A_6 iter_args(%scan3A_69 = %scan3A) -> (i32)  : i32 {
      %mul3A_70 = arith.constant 128 : i32
      %mul3A_71 = arith.muli %scan3A_68, %mul3A_70 : i32
      %add3A_72 = arith.addi %mul3A_2, %mul3A_71 : i32
      "tpu.region"() ({
        %run_scoped3A = tpu.sem_alloc : memref<!tpu.dma_semaphore, #tpu.memory_space<semaphore_mem>>
        %dma_start3A_74 = arith.constant 0 : i32
        %dma_start3A_75 = tpu.memref_slice %arg11[%add3A_72, %dma_start3A_74] : memref<10240x128xf32, #tpu.memory_space<vmem_shared>> -> memref<128x128xf32, #tpu.memory_space<vmem_shared>>
        %dma_start3A_76 = arith.constant 0 : i32
        %dma_start3A_77 = tpu.memref_slice %arg11[%add3A_72, %dma_start3A_76] : memref<10240x128xf32, #tpu.memory_space<vmem_shared>> -> memref<128x128xf32, #tpu.memory_space<vmem_shared>>
        tpu.enqueue_dma source(%arg6 : memref<128x128xf32, #tpu.memory_space<vmem>>) target(%dma_start3A_77 : memref<128x128xf32, #tpu.memory_space<vmem_shared>>) target_semaphore(%run_scoped3A : memref<!tpu.dma_semaphore, #tpu.memory_space<semaphore_mem>>)
        %dma_wait3A = arith.constant 0 : i32
        %dma_wait3A_78 = tpu.memref_slice %arg11[%add3A_72, %dma_wait3A] : memref<10240x128xf32, #tpu.memory_space<vmem_shared>> -> memref<128x128xf32, #tpu.memory_space<vmem_shared>>
        %dma_wait3A_79 = arith.constant 0 : i32
        %dma_wait3A_80 = tpu.memref_slice %arg11[%add3A_72, %dma_wait3A_79] : memref<10240x128xf32, #tpu.memory_space<vmem_shared>> -> memref<128x128xf32, #tpu.memory_space<vmem_shared>>
        tpu.wait_dma2 semaphore(%run_scoped3A : memref<!tpu.dma_semaphore, #tpu.memory_space<semaphore_mem>>) src(%arg6 : memref<128x128xf32, #tpu.memory_space<vmem>>) dst(%dma_wait3A_80 : memref<128x128xf32, #tpu.memory_space<vmem_shared>>)
        tpu.yield
      }) : () -> ()
      %scan3A_73 = arith.constant 0 : i32
      scf.yield %scan3A_73 : i32
    }
    %scan3A_8 = arith.constant 5 : i32
    %mul3A_9 = arith.constant 78 : i32
    %mul3A_10 = arith.muli %add3A, %mul3A_9 : i32
    %min3A = arith.constant 4 : i32
    %min3A_11 = arith.minsi %add3A, %min3A : i32
    %add3A_12 = arith.addi %mul3A_10, %min3A_11 : i32
    %lt3A = arith.constant 4 : i32
    %lt3A_13 = arith.cmpi slt, %add3A, %lt3A : i32
    %jit3A = arith.constant 1 : i32
    %jit3A_14 = arith.constant 0 : i32
    %select_n3A = arith.select %lt3A_13, %jit3A, %jit3A_14 : i32
    %add3A_15 = arith.constant 78 : i32
    %add3A_16 = arith.addi %add3A_15, %select_n3A : i32
    %jit3A_17 = arith.constant 8 : i32
    %div3A = arith.divsi %add3A_12, %jit3A_17 : i32
    %sign3A = arith.constant 0 : i32
    %sign3A_18 = arith.cmpi sgt, %add3A_12, %sign3A : i32
    %sign3A_19 = arith.extui %sign3A_18 : i1 to i32
    %sign3A_20 = arith.constant 0 : i32
    %sign3A_21 = arith.cmpi slt, %add3A_12, %sign3A_20 : i32
    %sign3A_22 = arith.extui %sign3A_21 : i1 to i32
    %sign3A_23 = arith.subi %sign3A_19, %sign3A_22 : i32
    %sign3A_24 = arith.constant 0 : i32
    %sign3A_25 = arith.cmpi sgt, %jit3A_17, %sign3A_24 : i32
    %sign3A_26 = arith.extui %sign3A_25 : i1 to i32
    %sign3A_27 = arith.constant 0 : i32
    %sign3A_28 = arith.cmpi slt, %jit3A_17, %sign3A_27 : i32
    %sign3A_29 = arith.extui %sign3A_28 : i1 to i32
    %sign3A_30 = arith.subi %sign3A_26, %sign3A_29 : i32
    %ne3A = arith.cmpi ne, %sign3A_23, %sign3A_30 : i32
    %rem3A = arith.remsi %add3A_12, %jit3A_17 : i32
    %ne3A_31 = arith.constant 0 : i32
    %ne3A_32 = arith.cmpi ne, %rem3A, %ne3A_31 : i32
    %and3A = arith.andi %ne3A, %ne3A_32 : i1
    %sub3A = arith.constant 1 : i32
    %sub3A_33 = arith.subi %div3A, %sub3A : i32
    %select_n3A_34 = arith.select %and3A, %sub3A_33, %div3A : i32
    %mul3A_35 = arith.constant 8 : i32
    %mul3A_36 = arith.muli %select_n3A_34, %mul3A_35 : i32
    %min3A_37 = arith.constant 2416 : i32
    %min3A_38 = arith.minsi %mul3A_36, %min3A_37 : i32
    %multiple_of3A = tpu.assume_multiple %min3A_38, 8 : i32
    %sub3A_39 = arith.subi %add3A_12, %multiple_of3A : i32
    "tpu.region"() ({
      %run_scoped3A = tpu.sem_alloc : memref<!tpu.dma_semaphore, #tpu.memory_space<semaphore_mem>>
      %dma_start3A_68 = arith.constant 0 : i32
      %dma_start3A_69 = tpu.memref_slice %arg3[%multiple_of3A, %dma_start3A_68] : memref<2504x128xi32, #tpu.memory_space<hbm>> -> memref<88x128xi32, #tpu.memory_space<hbm>>
      %dma_start3A_70 = arith.constant 0 : i32
      %dma_start3A_71 = tpu.memref_slice %arg3[%multiple_of3A, %dma_start3A_70] : memref<2504x128xi32, #tpu.memory_space<hbm>> -> memref<88x128xi32, #tpu.memory_space<hbm>>
      tpu.enqueue_dma source(%dma_start3A_71 : memref<88x128xi32, #tpu.memory_space<hbm>>) target(%arg10 : memref<88x128xi32, #tpu.memory_space<vmem>>) target_semaphore(%run_scoped3A : memref<!tpu.dma_semaphore, #tpu.memory_space<semaphore_mem>>)
      %dma_wait3A = arith.constant 0 : i32
      %dma_wait3A_72 = tpu.memref_slice %arg3[%multiple_of3A, %dma_wait3A] : memref<2504x128xi32, #tpu.memory_space<hbm>> -> memref<88x128xi32, #tpu.memory_space<hbm>>
      %dma_wait3A_73 = arith.constant 0 : i32
      %dma_wait3A_74 = tpu.memref_slice %arg3[%multiple_of3A, %dma_wait3A_73] : memref<2504x128xi32, #tpu.memory_space<hbm>> -> memref<88x128xi32, #tpu.memory_space<hbm>>
      tpu.wait_dma2 semaphore(%run_scoped3A : memref<!tpu.dma_semaphore, #tpu.memory_space<semaphore_mem>>) src(%dma_wait3A_74 : memref<88x128xi32, #tpu.memory_space<hbm>>) dst(%arg10 : memref<88x128xi32, #tpu.memory_space<vmem>>)
      tpu.yield
    }) : () -> ()
    %barrier3A = arith.constant 0 : index
    tpu.barrier barrier_id(%barrier3A)
    %add3A_40 = arith.constant 0 : i32
    %add3A_41 = arith.addi %add3A_12, %add3A_40 : i32
    %mul3A_42 = arith.constant 128 : i32
    %mul3A_43 = arith.muli %add3A_41, %mul3A_42 : i32
    %dma_start3A = arith.constant 0 : i32
    %dma_start3A_44 = tpu.memref_slice %arg2[%mul3A_43, %dma_start3A] : memref<320000x128xf32, #tpu.memory_space<hbm>> -> memref<128x128xf32, #tpu.memory_space<hbm>>
    %dma_start3A_45 = arith.constant 0 : i32
    %dma_start3A_46 = tpu.memref_slice %arg2[%mul3A_43, %dma_start3A_45] : memref<320000x128xf32, #tpu.memory_space<hbm>> -> memref<128x128xf32, #tpu.memory_space<hbm>>
    tpu.enqueue_dma source(%dma_start3A_46 : memref<128x128xf32, #tpu.memory_space<hbm>>) target(%arg6 : memref<128x128xf32, #tpu.memory_space<vmem>>) target_semaphore(%arg8 : memref<!tpu.dma_semaphore, #tpu.memory_space<semaphore_mem>>)
    %add3A_47 = arith.constant 1 : i32
    %add3A_48 = arith.addi %add3A_12, %add3A_47 : i32
    %mul3A_49 = arith.constant 128 : i32
    %mul3A_50 = arith.muli %add3A_48, %mul3A_49 : i32
    %dma_start3A_51 = arith.constant 0 : i32
    %dma_start3A_52 = tpu.memref_slice %arg2[%mul3A_50, %dma_start3A_51] : memref<320000x128xf32, #tpu.memory_space<hbm>> -> memref<128x128xf32, #tpu.memory_space<hbm>>
    %dma_start3A_53 = arith.constant 0 : i32
    %dma_start3A_54 = tpu.memref_slice %arg2[%mul3A_50, %dma_start3A_53] : memref<320000x128xf32, #tpu.memory_space<hbm>> -> memref<128x128xf32, #tpu.memory_space<hbm>>
    tpu.enqueue_dma source(%dma_start3A_54 : memref<128x128xf32, #tpu.memory_space<hbm>>) target(%arg7 : memref<128x128xf32, #tpu.memory_space<vmem>>) target_semaphore(%arg9 : memref<!tpu.dma_semaphore, #tpu.memory_space<semaphore_mem>>)
    %scan3A_55 = arith.constant 0 : i32
    %scan3A_56 = arith.constant 40 : i32
    %scan3A_57 = arith.addi %scan3A_55, %scan3A_56 : i32
    %scan3A_58 = arith.constant 1 : i32
    scf.for %scan3A_68 = %scan3A_55 to %scan3A_57 step %scan3A_58  : i32 {
      %mul3A_69 = arith.constant 1 : i32
      %mul3A_70 = arith.muli %scan3A_68, %mul3A_69 : i32
      %add3A_71 = arith.constant 0 : i32
      %add3A_72 = arith.addi %add3A_71, %mul3A_70 : i32
      %mul3A_73 = arith.constant 2 : i32
      %mul3A_74 = arith.muli %add3A_72, %mul3A_73 : i32
      %add3A_75 = arith.constant 0 : i32
      %add3A_76 = arith.addi %mul3A_74, %add3A_75 : i32
      %lt3A_77 = arith.cmpi slt, %add3A_76, %add3A_16 : i32
      %convert_element_type3A = arith.extui %lt3A_77 : i1 to i32
      %cond3A = arith.constant 0 : i32
      %cond3A_78 = arith.cmpi ne, %convert_element_type3A, %cond3A : i32
      scf.if %cond3A_78 {
        %add3A_87 = arith.addi %add3A_12, %add3A_76 : i32
        %mul3A_88 = arith.constant 128 : i32
        %mul3A_89 = arith.muli %add3A_87, %mul3A_88 : i32
        %dma_wait3A = arith.constant 0 : i32
        %dma_wait3A_90 = tpu.memref_slice %arg2[%mul3A_89, %dma_wait3A] : memref<320000x128xf32, #tpu.memory_space<hbm>> -> memref<128x128xf32, #tpu.memory_space<hbm>>
        %dma_wait3A_91 = arith.constant 0 : i32
        %dma_wait3A_92 = tpu.memref_slice %arg2[%mul3A_89, %dma_wait3A_91] : memref<320000x128xf32, #tpu.memory_space<hbm>> -> memref<128x128xf32, #tpu.memory_space<hbm>>
        tpu.wait_dma2 semaphore(%arg8 : memref<!tpu.dma_semaphore, #tpu.memory_space<semaphore_mem>>) src(%dma_wait3A_92 : memref<128x128xf32, #tpu.memory_space<hbm>>) dst(%arg6 : memref<128x128xf32, #tpu.memory_space<vmem>>)
        %add3A_93 = arith.addi %sub3A_39, %add3A_76 : i32
        "tpu.region"() ({
          %run_scoped3A = tpu.sem_alloc : memref<!tpu.dma_semaphore, #tpu.memory_space<semaphore_mem>>
          %dma_start3A_100 = arith.constant 0 : i32
          %dma_start3A_101 = tpu.memref_slice %arg10[%add3A_93, %dma_start3A_100] : memref<88x128xi32, #tpu.memory_space<vmem>> -> memref<1x128xi32, #tpu.memory_space<vmem>>
          %dma_start3A_102 = tpu.memref_squeeze %dma_start3A_101 : memref<1x128xi32, #tpu.memory_space<vmem>> -> memref<128xi32, #tpu.memory_space<vmem>>
          %dma_start3A_103 = arith.constant 0 : i32
          %dma_start3A_104 = arith.constant 0 : i32
          %dma_start3A_105 = tpu.memref_slice %arg11[%dma_start3A_103, %dma_start3A_104] : memref<10240x128xf32, #tpu.memory_space<vmem_shared>> -> memref<10240x128xf32, #tpu.memory_space<vmem_shared>>
          tpu.enqueue_indirect_dma source(%arg6 : memref<128x128xf32, #tpu.memory_space<vmem>>) target(%dma_start3A_105 : memref<10240x128xf32, #tpu.memory_space<vmem_shared>>) offsets(%dma_start3A_102 : memref<128xi32, #tpu.memory_space<vmem>>) semaphore(%run_scoped3A : memref<!tpu.dma_semaphore, #tpu.memory_space<semaphore_mem>>) {add = true}
          %dma_wait3A_106 = arith.constant 0 : i32
          %dma_wait3A_107 = tpu.memref_slice %arg10[%add3A_93, %dma_wait3A_106] : memref<88x128xi32, #tpu.memory_space<vmem>> -> memref<1x128xi32, #tpu.memory_space<vmem>>
          %dma_wait3A_108 = tpu.memref_squeeze %dma_wait3A_107 : memref<1x128xi32, #tpu.memory_space<vmem>> -> memref<128xi32, #tpu.memory_space<vmem>>
          %dma_wait3A_109 = arith.constant 0 : i32
          %dma_wait3A_110 = arith.constant 0 : i32
          %dma_wait3A_111 = tpu.memref_slice %arg11[%dma_wait3A_109, %dma_wait3A_110] : memref<10240x128xf32, #tpu.memory_space<vmem_shared>> -> memref<10240x128xf32, #tpu.memory_space<vmem_shared>>
          tpu.wait_indirect_dma semaphore(%run_scoped3A : memref<!tpu.dma_semaphore, #tpu.memory_space<semaphore_mem>>) src(%arg6 : memref<128x128xf32, #tpu.memory_space<vmem>>) dst(%dma_wait3A_111 : memref<10240x128xf32, #tpu.memory_space<vmem_shared>>)
          tpu.yield
        }) : () -> ()
        %add3A_94 = arith.constant 2 : i32
        %add3A_95 = arith.addi %add3A_76, %add3A_94 : i32
        %lt3A_96 = arith.cmpi slt, %add3A_95, %add3A_16 : i32
        %convert_element_type3A_97 = arith.extui %lt3A_96 : i1 to i32
        %cond3A_98 = arith.constant 0 : i32
        %cond3A_99 = arith.cmpi ne, %convert_element_type3A_97, %cond3A_98 : i32
        scf.if %cond3A_99 {
          %add3A_100 = arith.constant 2 : i32
          %add3A_101 = arith.addi %add3A_76, %add3A_100 : i32
          %add3A_102 = arith.addi %add3A_12, %add3A_101 : i32
          %mul3A_103 = arith.constant 128 : i32
          %mul3A_104 = arith.muli %add3A_102, %mul3A_103 : i32
          %dma_start3A_105 = arith.constant 0 : i32
          %dma_start3A_106 = tpu.memref_slice %arg2[%mul3A_104, %dma_start3A_105] : memref<320000x128xf32, #tpu.memory_space<hbm>> -> memref<128x128xf32, #tpu.memory_space<hbm>>
          %dma_start3A_107 = arith.constant 0 : i32
          %dma_start3A_108 = tpu.memref_slice %arg2[%mul3A_104, %dma_start3A_107] : memref<320000x128xf32, #tpu.memory_space<hbm>> -> memref<128x128xf32, #tpu.memory_space<hbm>>
          tpu.enqueue_dma source(%dma_start3A_108 : memref<128x128xf32, #tpu.memory_space<hbm>>) target(%arg6 : memref<128x128xf32, #tpu.memory_space<vmem>>) target_semaphore(%arg8 : memref<!tpu.dma_semaphore, #tpu.memory_space<semaphore_mem>>)
        } else {
        }
      } else {
      }
      %mul3A_79 = arith.constant 2 : i32
      %mul3A_80 = arith.muli %add3A_72, %mul3A_79 : i32
      %add3A_81 = arith.constant 1 : i32
      %add3A_82 = arith.addi %mul3A_80, %add3A_81 : i32
      %lt3A_83 = arith.cmpi slt, %add3A_82, %add3A_16 : i32
      %convert_element_type3A_84 = arith.extui %lt3A_83 : i1 to i32
      %cond3A_85 = arith.constant 0 : i32
      %cond3A_86 = arith.cmpi ne, %convert_element_type3A_84, %cond3A_85 : i32
      scf.if %cond3A_86 {
        %add3A_87 = arith.addi %add3A_12, %add3A_82 : i32
        %mul3A_88 = arith.constant 128 : i32
        %mul3A_89 = arith.muli %add3A_87, %mul3A_88 : i32
        %dma_wait3A = arith.constant 0 : i32
        %dma_wait3A_90 = tpu.memref_slice %arg2[%mul3A_89, %dma_wait3A] : memref<320000x128xf32, #tpu.memory_space<hbm>> -> memref<128x128xf32, #tpu.memory_space<hbm>>
        %dma_wait3A_91 = arith.constant 0 : i32
        %dma_wait3A_92 = tpu.memref_slice %arg2[%mul3A_89, %dma_wait3A_91] : memref<320000x128xf32, #tpu.memory_space<hbm>> -> memref<128x128xf32, #tpu.memory_space<hbm>>
        tpu.wait_dma2 semaphore(%arg9 : memref<!tpu.dma_semaphore, #tpu.memory_space<semaphore_mem>>) src(%dma_wait3A_92 : memref<128x128xf32, #tpu.memory_space<hbm>>) dst(%arg7 : memref<128x128xf32, #tpu.memory_space<vmem>>)
        %add3A_93 = arith.addi %sub3A_39, %add3A_82 : i32
        "tpu.region"() ({
          %run_scoped3A = tpu.sem_alloc : memref<!tpu.dma_semaphore, #tpu.memory_space<semaphore_mem>>
          %dma_start3A_100 = arith.constant 0 : i32
          %dma_start3A_101 = tpu.memref_slice %arg10[%add3A_93, %dma_start3A_100] : memref<88x128xi32, #tpu.memory_space<vmem>> -> memref<1x128xi32, #tpu.memory_space<vmem>>
          %dma_start3A_102 = tpu.memref_squeeze %dma_start3A_101 : memref<1x128xi32, #tpu.memory_space<vmem>> -> memref<128xi32, #tpu.memory_space<vmem>>
          %dma_start3A_103 = arith.constant 0 : i32
          %dma_start3A_104 = arith.constant 0 : i32
          %dma_start3A_105 = tpu.memref_slice %arg11[%dma_start3A_103, %dma_start3A_104] : memref<10240x128xf32, #tpu.memory_space<vmem_shared>> -> memref<10240x128xf32, #tpu.memory_space<vmem_shared>>
          tpu.enqueue_indirect_dma source(%arg7 : memref<128x128xf32, #tpu.memory_space<vmem>>) target(%dma_start3A_105 : memref<10240x128xf32, #tpu.memory_space<vmem_shared>>) offsets(%dma_start3A_102 : memref<128xi32, #tpu.memory_space<vmem>>) semaphore(%run_scoped3A : memref<!tpu.dma_semaphore, #tpu.memory_space<semaphore_mem>>) {add = true}
          %dma_wait3A_106 = arith.constant 0 : i32
          %dma_wait3A_107 = tpu.memref_slice %arg10[%add3A_93, %dma_wait3A_106] : memref<88x128xi32, #tpu.memory_space<vmem>> -> memref<1x128xi32, #tpu.memory_space<vmem>>
          %dma_wait3A_108 = tpu.memref_squeeze %dma_wait3A_107 : memref<1x128xi32, #tpu.memory_space<vmem>> -> memref<128xi32, #tpu.memory_space<vmem>>
          %dma_wait3A_109 = arith.constant 0 : i32
          %dma_wait3A_110 = arith.constant 0 : i32
          %dma_wait3A_111 = tpu.memref_slice %arg11[%dma_wait3A_109, %dma_wait3A_110] : memref<10240x128xf32, #tpu.memory_space<vmem_shared>> -> memref<10240x128xf32, #tpu.memory_space<vmem_shared>>
          tpu.wait_indirect_dma semaphore(%run_scoped3A : memref<!tpu.dma_semaphore, #tpu.memory_space<semaphore_mem>>) src(%arg7 : memref<128x128xf32, #tpu.memory_space<vmem>>) dst(%dma_wait3A_111 : memref<10240x128xf32, #tpu.memory_space<vmem_shared>>)
          tpu.yield
        }) : () -> ()
        %add3A_94 = arith.constant 2 : i32
        %add3A_95 = arith.addi %add3A_82, %add3A_94 : i32
        %lt3A_96 = arith.cmpi slt, %add3A_95, %add3A_16 : i32
        %convert_element_type3A_97 = arith.extui %lt3A_96 : i1 to i32
        %cond3A_98 = arith.constant 0 : i32
        %cond3A_99 = arith.cmpi ne, %convert_element_type3A_97, %cond3A_98 : i32
        scf.if %cond3A_99 {
          %add3A_100 = arith.constant 2 : i32
          %add3A_101 = arith.addi %add3A_82, %add3A_100 : i32
          %add3A_102 = arith.addi %add3A_12, %add3A_101 : i32
          %mul3A_103 = arith.constant 128 : i32
          %mul3A_104 = arith.muli %add3A_102, %mul3A_103 : i32
          %dma_start3A_105 = arith.constant 0 : i32
          %dma_start3A_106 = tpu.memref_slice %arg2[%mul3A_104, %dma_start3A_105] : memref<320000x128xf32, #tpu.memory_space<hbm>> -> memref<128x128xf32, #tpu.memory_space<hbm>>
          %dma_start3A_107 = arith.constant 0 : i32
          %dma_start3A_108 = tpu.memref_slice %arg2[%mul3A_104, %dma_start3A_107] : memref<320000x128xf32, #tpu.memory_space<hbm>> -> memref<128x128xf32, #tpu.memory_space<hbm>>
          tpu.enqueue_dma source(%dma_start3A_108 : memref<128x128xf32, #tpu.memory_space<hbm>>) target(%arg7 : memref<128x128xf32, #tpu.memory_space<vmem>>) target_semaphore(%arg9 : memref<!tpu.dma_semaphore, #tpu.memory_space<semaphore_mem>>)
        } else {
        }
      } else {
      }
    }
    %scan3A_59 = arith.constant 40 : i32
    %barrier3A_60 = arith.constant 0 : index
    tpu.barrier barrier_id(%barrier3A_60)
    %scan3A_61 = arith.constant 0 : i32
    %scan3A_62 = arith.constant 0 : i32
    %scan3A_63 = arith.constant 5 : i32
    %scan3A_64 = arith.addi %scan3A_62, %scan3A_63 : i32
    %scan3A_65 = arith.constant 1 : i32
    %scan3A_66 = scf.for %scan3A_68 = %scan3A_62 to %scan3A_64 step %scan3A_65 iter_args(%scan3A_69 = %scan3A_61) -> (i32)  : i32 {
      %mul3A_70 = arith.constant 128 : i32
      %mul3A_71 = arith.muli %scan3A_68, %mul3A_70 : i32
      %add3A_72 = arith.addi %mul3A_2, %mul3A_71 : i32
      "tpu.region"() ({
        %run_scoped3A = tpu.sem_alloc : memref<!tpu.dma_semaphore, #tpu.memory_space<semaphore_mem>>
        %dma_start3A_74 = arith.constant 0 : i32
        %dma_start3A_75 = tpu.memref_slice %arg5[%arg0, %add3A_72, %dma_start3A_74] : memref<2x10240x128xf32, #tpu.memory_space<hbm>> -> memref<1x128x128xf32, #tpu.memory_space<hbm>>
        %dma_start3A_76 = tpu.memref_squeeze %dma_start3A_75 : memref<1x128x128xf32, #tpu.memory_space<hbm>> -> memref<128x128xf32, #tpu.memory_space<hbm>>
        %dma_start3A_77 = arith.constant 0 : i32
        %dma_start3A_78 = tpu.memref_slice %arg11[%add3A_72, %dma_start3A_77] : memref<10240x128xf32, #tpu.memory_space<vmem_shared>> -> memref<128x128xf32, #tpu.memory_space<vmem_shared>>
        tpu.enqueue_dma source(%dma_start3A_78 : memref<128x128xf32, #tpu.memory_space<vmem_shared>>) target(%dma_start3A_76 : memref<128x128xf32, #tpu.memory_space<hbm>>) target_semaphore(%run_scoped3A : memref<!tpu.dma_semaphore, #tpu.memory_space<semaphore_mem>>)
        %dma_wait3A = arith.constant 0 : i32
        %dma_wait3A_79 = tpu.memref_slice %arg5[%arg0, %add3A_72, %dma_wait3A] : memref<2x10240x128xf32, #tpu.memory_space<hbm>> -> memref<1x128x128xf32, #tpu.memory_space<hbm>>
        %dma_wait3A_80 = tpu.memref_squeeze %dma_wait3A_79 : memref<1x128x128xf32, #tpu.memory_space<hbm>> -> memref<128x128xf32, #tpu.memory_space<hbm>>
        %dma_wait3A_81 = arith.constant 0 : i32
        %dma_wait3A_82 = tpu.memref_slice %arg11[%add3A_72, %dma_wait3A_81] : memref<10240x128xf32, #tpu.memory_space<vmem_shared>> -> memref<128x128xf32, #tpu.memory_space<vmem_shared>>
        tpu.wait_dma2 semaphore(%run_scoped3A : memref<!tpu.dma_semaphore, #tpu.memory_space<semaphore_mem>>) src(%dma_wait3A_82 : memref<128x128xf32, #tpu.memory_space<vmem_shared>>) dst(%dma_wait3A_80 : memref<128x128xf32, #tpu.memory_space<hbm>>)
        tpu.yield
      }) : () -> ()
      %scan3A_73 = arith.constant 0 : i32
      scf.yield %scan3A_73 : i32
    }
    %scan3A_67 = arith.constant 5 : i32
    return
  }
}

module attributes {stable_mosaic.version = 14 : i64} {
  func.func @_tc_linear_body(%arg0: i32, %arg1: memref<2x2000x128xf32, #tpu.memory_space<vmem>>, %arg2: memref<128x128xf32, #tpu.memory_space<vmem>>, %arg3: memref<1x128xf32, #tpu.memory_space<vmem>>, %arg4: memref<2000x128xf32, #tpu.memory_space<vmem>>) attributes {dimension_semantics = [#tpu.dimension_semantics<arbitrary>], iteration_bounds = array<i64: 5>, scalar_prefetch = 0 : i64, scratch_operands = 0 : i64, tpu.core_type = #tpu.core_type<tc>, window_params = [{transform_indices = @transform_0, window_bounds = array<i64: 2, 2000, 128>}, {pipeline_mode = #tpu.pipeline_mode<synchronous>, transform_indices = @transform_1, window_bounds = array<i64: 128, 128>}, {pipeline_mode = #tpu.pipeline_mode<synchronous>, transform_indices = @transform_2, window_bounds = array<i64: 1, 128>}, {transform_indices = @transform_3, window_bounds = array<i64: 2000, 128>}]} {
    %get3A = arith.constant 0 : index
    %get3A_0 = arith.constant 0 : index
    %get3A_1 = arith.constant 0 : index
    %get3A_2 = vector.load %arg1[%get3A, %get3A_0, %get3A_1] : memref<2x2000x128xf32, #tpu.memory_space<vmem>>, vector<1x2000x128xf32>
    %get3A_3 = vector.shape_cast %get3A_2 : vector<1x2000x128xf32> to vector<2000x128xf32>
    %get3A_4 = arith.constant 1 : index
    %get3A_5 = arith.constant 0 : index
    %get3A_6 = arith.constant 0 : index
    %get3A_7 = vector.load %arg1[%get3A_4, %get3A_5, %get3A_6] : memref<2x2000x128xf32, #tpu.memory_space<vmem>>, vector<1x2000x128xf32>
    %get3A_8 = vector.shape_cast %get3A_7 : vector<1x2000x128xf32> to vector<2000x128xf32>
    %add3A = arith.addf %get3A_3, %get3A_8 : vector<2000x128xf32>
    %get3A_9 = arith.constant 0 : index
    %get3A_10 = arith.constant 0 : index
    %get3A_11 = vector.load %arg2[%get3A_9, %get3A_10] : memref<128x128xf32, #tpu.memory_space<vmem>>, vector<128x128xf32>
    %dot_general3A = arith.constant dense<0.000000e+00> : vector<2000x128xf32>
    %dot_general3A_12 = tpu.matmul %add3A, %get3A_11, %dot_general3A {dimension_numbers = #tpu.dot_dimension_numbers<[1], [1], [0], [0], [0, 0, 1, 0], [], []>, transpose_lhs_hint = false} : vector<2000x128xf32>, vector<128x128xf32>, vector<2000x128xf32> -> vector<2000x128xf32>
    %get3A_13 = arith.constant 0 : index
    %get3A_14 = arith.constant 0 : index
    %get3A_15 = vector.load %arg3[%get3A_13, %get3A_14] : memref<1x128xf32, #tpu.memory_space<vmem>>, vector<1x128xf32>
    %add3A_16 = vector.broadcast %get3A_15 : vector<1x128xf32> to vector<2000x128xf32>
    %add3A_17 = arith.addf %dot_general3A_12, %add3A_16 : vector<2000x128xf32>
    %swap3A = arith.constant 0 : index
    %swap3A_18 = arith.constant 0 : index
    %swap3A_19 = vector.load %arg4[%swap3A, %swap3A_18] : memref<2000x128xf32, #tpu.memory_space<vmem>>, vector<2000x128xf32>
    tpu.vector_store %arg4[%swap3A, %swap3A_18], %add3A_17 {strides = array<i32>} : memref<2000x128xf32, #tpu.memory_space<vmem>>, vector<2000x128xf32>,
    return
  }
  func.func @transform_0(%arg0: i32) -> (i32, i32, i32) {
    %c0_i32 = arith.constant 0 : i32
    %c0_i32_0 = arith.constant 0 : i32
    %c0_i32_1 = arith.constant 0 : i32
    return %c0_i32, %arg0, %c0_i32_0 : i32, i32, i32
  }
  func.func @transform_1(%arg0: i32) -> (i32, i32) {
    %c0_i32 = arith.constant 0 : i32
    %c0_i32_0 = arith.constant 0 : i32
    %c0_i32_1 = arith.constant 0 : i32
    return %c0_i32, %c0_i32_0 : i32, i32
  }
  func.func @transform_2(%arg0: i32) -> (i32, i32) {
    %c0_i32 = arith.constant 0 : i32
    %c0_i32_0 = arith.constant 0 : i32
    %c0_i32_1 = arith.constant 0 : i32
    return %c0_i32, %c0_i32_0 : i32, i32
  }
  func.func @transform_3(%arg0: i32) -> (i32, i32) {
    %c0_i32 = arith.constant 0 : i32
    %c0_i32_0 = arith.constant 0 : i32
    return %arg0, %c0_i32 : i32, i32
  }
}

</mosaic_0001>

<sc_bundles>
// kernel: kernel.4.cloned.1.call-start
scs
__scs_entry_jumppad:
0x0: {  	(pc) =	sbr.rel $0x88, $3  }
0x1: {  	(tag) =	ssettag $0x0;
	lr =	simm.s32 $0x1  }
0x2: {  	[smem:$0x3F9D] =	sst lr;
	_ =	strace $0xD0000000  }
0x3: {  	_ = 	snop  }
0x4: {  	_ = 	snop  }
0x5: {  	_ = 	snop  }
0x6: {  	_ = 	snop  }
0x7: {  	_ = 	snop  }
__scs_overlays_trampoline_lowered:
0x8: {  	[smem:$0x3FAC] =	sst s0  }
0x9: {  	[smem:$0x3FAD] =	sst s1  }
0xa: {  	[smem:$0x3FAE] =	sst s2  }
0xb: {  	[smem:$0x3FAF] =	sst s3  }
0xc: {  	[smem:$0x3FB0] =	sst s4  }
0xd: {  	[smem:$0x3FB1] =	sst s5  }
0xe: {  	[smem:$0x3FB2] =	sst s6  }
0xf: {  	[smem:$0x3FB3] =	sst s7  }
0x10: {  	[smem:$0x3FB4] =	sst s8  }
0x11: {  	[smem:$0x3FB5] =	sst s9;
	s0 =	simm.s32 @!p0 $0x0  }
0x12: {  	s1 =	sld [smem:$0x3F9B];
	s0 =	simm.s32 @p0 $0x1  }
0x13: {  	[smem:$0x3FB6] =	sst s0;
	s0 =	simm.s32 @!p1 $0x0  }
0x14: {  	s2 =	sld [smem:$0x3F9A];
	s0 =	simm.s32 @p1 $0x1  }
0x15: {  	[smem:$0x3FB7] =	sst s0;
	s0 =	simm.s32 @!p2 $0x0  }
0x16: {  	s3 =	sld [smem:$0x3FDB];
	s0 =	simm.s32 @p2 $0x1  }
0x17: {  	s4 =	simm.s32 $0x1BF5;
	[smem:$0x3FB9] =	sst s0  }
0x18: {  	s0 =	sld [smem:$0x3F9C];
	_ =	swait.ge [sflag:s4], $0x0  }
0x19: {  	s7 =	sld [smem:$0x3F9D]  }
0x1a: {  	s8 =	sadd.s32 $0xFFFFE003, lr  }
0x1b: {  	s9 =	sadd.s32 $0xFFFFFEF7, lr;
	s5 =	simm.s32 $0xFFFFFFFF;
	p2 =	slt.u32 s8, $0xFFFFF086  }
0x1c: {  	p1 =	slt.u32 s9, $0xF7A;
	s5 =	simm.s32 @!p2 $0x0  }
0x1d: {  	s5 =	simm.s32 @p1 $0x1;
	p0 =	seq.s32 s7, s2  }
0x1e: {  	s7 =	smul.u32 @!p0 $0xF7A, s2;
	p2 =	seq.s32 @!p0 s5, $0x0  }
0x1f: {  	s9 =	smul.u32 $0xF7A, s1;
	s8 =	simm.s32 @!p0 $0x1BF5;
	p2 =	por !p2, p0  }
0x20: {  	[sflag:s8] =	ssyncset.s32 @!p0 $0xFFFFF086;
	s6 =	sadd.s32 @!p0 s3, s7;
	s7 =	simm.s32 @!p0 $0x108  }
0x21: {  	s3 =	sadd.s32 s3, s9;
	s6 =	sadd.s32 @!p0 $0x88, s6;
	s7 =	simm.s32 @p2 $0x1082  }
0x22: {  	[simem:s7], [sflag:s8] =	dma.local @!p0 [hbm:s6], $0xF7A  }
0x23: {  	s9 =	sor.u32 $0xD0000000, s2;
	s6 =	simm.s32 $0x108;
	_ =	swait.ge @!p0 [sflag:s8], $0x0  }
0x24: {  	s3 =	sadd.s32 $0x88, s3;
	s6 =	simm.s32 @!p1 $0x1082;
	[sflag:s4] =	ssyncset.s32 $0xFFFFF086  }
0x25: {  	[simem:s6], [sflag:s4] =	dma.local [hbm:s3], $0xF7A  }
0x26: {  	[smem:$0x3F9D] =	sst s1;
	(tag) =	ssettag s2;
	_ =	strace s9  }
0x27: {  	s1 =	sld [smem:$0x3FAD]  }
0x28: {  	s2 =	sld [smem:$0x3FAE]  }
0x29: {  	s4 =	sld [smem:$0x3FB0]  }
0x2a: {  	p0 =	seq.s32 s5, $0x0;
	s5 =	sld [smem:$0x3FB1]  }
0x2b: {  	s6 =	sld [smem:$0x3FB2]  }
0x2c: {  	s7 =	sld [smem:$0x3FB3]  }
0x2d: {  	s3 =	simm.s32 $0x108;
	s8 =	sld [smem:$0x3FB4]  }
0x2e: {  	s3 =	simm.s32 @!p0 $0x1082;
	s9 =	sld [smem:$0x3FB5]  }
0x2f: {  	lr =	sadd.s32 s0, s3;
	s0 =	sld [smem:$0x3FAC]  }
0x30: {  	s3 =	sld [smem:$0x3FAF]  }
0x31: {  	[smem:$0x3FB8] =	sst s10  }
0x32: {  	s10 =	sld [smem:$0x3FB6];
	_ =	sdelay $0x3  }
0x33: {  	p0 =	seq.s32 s10, $0x1;
	s10 =	sld [smem:$0x3FB8];
	_ =	sdelay $0x3  }
0x34: {  	[smem:$0x3FB8] =	sst s10  }
0x35: {  	s10 =	sld [smem:$0x3FB7];
	_ =	sdelay $0x3  }
0x36: {  	p1 =	seq.s32 s10, $0x1;
	s10 =	sld [smem:$0x3FB8];
	_ =	sdelay $0x3  }
0x37: {  	[smem:$0x3FB8] =	sst s10  }
0x38: {  	s10 =	sld [smem:$0x3FB9]  }
0x39: {  	_ = 	snop;
	(pc) =	sbr.ind lr, $3  }
0x3a: {  	_ = 	snop  }
0x3b: {  	_ = 	snop  }
0x3c: {  	p2 =	seq.s32 s10, $0x1;
	s10 =	sld [smem:$0x3FB8]  }
0x3d: {  	_ =	shalt  }
0x3e: {  	_ =	shalt  }
0x3f: {  	_ =	shalt  }
0x40: {  	_ =	shalt  }
0x41: {  	_ =	shalt  }
0x42: {  	_ =	shalt  }
0x43: {  	_ =	shalt  }
0x44: {  	_ =	shalt  }
0x45: {  	_ =	shalt  }
0x46: {  	_ =	shalt  }
0x47: {  	_ =	shalt  }
0x48: {  	_ =	shalt  }
0x49: {  	_ =	shalt  }
0x4a: {  	_ =	shalt  }
0x4b: {  	_ =	shalt  }
0x4c: {  	_ =	shalt  }
0x4d: {  	_ =	shalt  }
0x4e: {  	_ =	shalt  }
0x4f: {  	_ =	shalt  }
0x50: {  	_ =	shalt  }
0x51: {  	_ =	shalt  }
0x52: {  	_ =	shalt  }
0x53: {  	_ =	shalt  }
0x54: {  	_ =	shalt  }
0x55: {  	_ =	shalt  }
0x56: {  	_ =	shalt  }
0x57: {  	_ =	shalt  }
0x58: {  	_ =	shalt  }
0x59: {  	_ =	shalt  }
0x5a: {  	_ =	shalt  }
0x5b: {  	_ =	shalt  }
0x5c: {  	_ =	shalt  }
0x5d: {  	_ =	shalt  }
0x5e: {  	_ =	shalt  }
0x5f: {  	_ =	shalt  }
0x60: {  	_ =	shalt  }
0x61: {  	_ =	shalt  }
0x62: {  	_ =	shalt  }
0x63: {  	_ =	shalt  }
0x64: {  	_ =	shalt  }
0x65: {  	_ =	shalt  }
0x66: {  	_ =	shalt  }
0x67: {  	_ =	shalt  }
0x68: {  	_ =	shalt  }
0x69: {  	_ =	shalt  }
0x6a: {  	_ =	shalt  }
0x6b: {  	_ =	shalt  }
0x6c: {  	_ =	shalt  }
0x6d: {  	_ =	shalt  }
0x6e: {  	_ =	shalt  }
0x6f: {  	_ =	shalt  }
0x70: {  	_ =	shalt  }
0x71: {  	_ =	shalt  }
0x72: {  	_ =	shalt  }
0x73: {  	_ =	shalt  }
0x74: {  	_ =	shalt  }
0x75: {  	_ =	shalt  }
0x76: {  	_ =	shalt  }
0x77: {  	_ =	shalt  }
0x78: {  	_ =	shalt  }
0x79: {  	_ =	shalt  }
0x7a: {  	_ =	shalt  }
0x7b: {  	_ =	shalt  }
0x7c: {  	_ =	shalt  }
0x7d: {  	_ =	shalt  }
0x7e: {  	_ =	shalt  }
0x7f: {  	_ =	shalt  }
0x80: {  	_ =	shalt  }
0x81: {  	_ =	shalt  }
0x82: {  	_ =	shalt  }
0x83: {  	_ =	shalt  }
0x84: {  	_ =	shalt  }
0x85: {  	_ =	shalt  }
0x86: {  	_ =	shalt  }
0x87: {  	_ =	shalt  }
.Lfunc_end0:
.L_simem_size_0:
called_computation_lowered:
.L_overlay_start_0:
0x88: {  	s2 =	sld [smem:$0x3FD9]  }
0x89: {  	s3 =	sld [smem:$0x3FFE];
	_ =	sdelay $0x1  }
0x8a: {  	s1 =	srdreg.scid  }
0x8b: {  	s0 =	sand.u32 $0x1, s1  }
0x8c: {  	s17 =	sshll.u32 s0, $0xA;
	s2 =	sadd.s32 s3, s2  }
0x8d: {  	s2 =	sadd.s32 s2, s17  }
0x8e: {  	[smem:$0x3FC4] =	sst s2  }
0x8f: {  	_ = 	snop  }
0x90: {  	s2 =	sld [smem:$0x3FC9]  }
0x91: {  	s18 =	sld [smem:$0x3FD0];
	(tm) =	ssettm $0x1  }
0x92: {  	s4 =	sld [smem:$0x3FFB];
	_ =	sdelay $0x3  }
0x93: {  	_ =	strace s4  }
0x94: {  	s4 =	sld [smem:$0x3FFC];
	_ =	sdelay $0x3  }
0x95: {  	_ =	strace s4  }
0x96: {  	s4 =	sld [smem:$0x3FFD];
	_ =	sdelay $0x3  }
0x97: {  	_ =	strace s4  }
0x98: {  	_ =	strace $0x8FFFFFFF  }
0x99: {  	s19 =	sld [smem:$0x3FDB];
	_ =	sdelay $0x1  }
0x9a: {  	s5 =	simm.s32 $_scs_section_size  }
0x9b: {  	s6 =	simm.s32 $_size__tile_overlayer_lowered;
	s7 =	simm.s32 $_tile_overlayer_lowered  }
0x9c: {  	s22 =	simm.s32 $0x1BFF;
	s21 =	sshll.u32 s7, $0x1;
	s4 =	sadd.s32 s5, s19  }
0x9d: {  	s8 =	simm.s32 $0x0;
	s20 =	sshll.u32 s6, $0x1;
	s6 =	sadd.s32 s21, s4  }
0x9e: {  	[timem:s8], [sflag:s22] =	dma.local [hbm:s6], s20  }
0x9f: {  	_ =	swait.ge [sflag:s22], s20  }
0xa0: {  	s5 =	ssub.s32 $0x0, s20;
	[sflag:s22] =	ssyncset.done $0x0  }
0xa1: {  	[sflag:s22] =	ssyncadd.s32 s5;
	_ =	sdelay $0x1  }
0xa2: {  	s23 =	simm.s32 $0x1B8B  }
0xa3: {  	_ =	swait.ge [sflag:s23], $0x1  }
0xa4: {  	[sflag:s23] =	ssyncset.done $0x0  }
0xa5: {  	s25 =	simm.s32 $0x1B8E;
	s24 =	sld [smem:$0x3FFE];
	[sflag:s23] =	ssyncadd.s32 $0xFFFFFFFF  }
0xa6: {  	s26 =	simm.s32 $execute0_lowered;
	[smem:$0x3FD2] =	sst s25  }
0xa7: {  	s6 =	sshll.u32 s26, $0x1;
	_ =	strace $0x80000046;
	[dreg:$0x1] =	wrdreg $0xFFFFFFFF  }
0xa8: {  	s28 =	simm.s32 $_size_execute0_lowered;
	s4 =	sadd.s32 s4, s6;
	[dreg:$0x0] =	wrdreg $0x0  }
0xa9: {  	s6 =	sshll.u32 s28, $0x1;
	[dreg:$0x2] =	wrdreg s4  }
0xaa: {  	[dreg:$0x3] =	wrdreg s6  }
0xab: {  	[dreg:$0x4] =	wrdreg $0xC0  }
0xac: {  	_ =	task [dreg:s8], $0x5FFFF  }
0xad: {  	[dreg:$0x1] =	wrdreg $0xFFFFFFFF  }
0xae: {  	[dreg:$0x0] =	wrdreg $0x60  }
0xaf: {  	[dreg:$0x2] =	wrdreg s2  }
0xb0: {  	[dreg:$0x3] =	wrdreg s18  }
0xb1: {  	[dreg:$0x4] =	wrdreg s24  }
0xb2: {  	[dreg:$0x5] =	wrdreg $0xAC000  }
0xb3: {  	[dreg:$0x6] =	wrdreg $0x9  }
0xb4: {  	_ =	task.clear_ibuf [dreg:s8], $0x7FFFF;
	_ =	strace $0x90000046  }
0xb5: {  	s29 =	simm.s32 $0x9;
	_ =	strace $0x80000048  }
0xb6: {  	_ =	swait.ge [sflag:s29], $0x1  }
0xb7: {  	[sflag:s29] =	ssyncadd.s32 $0xFFFFFFFF  }
0xb8: {  	_ =	strace $0x90000048  }
0xb9: {  	_ =	sfence  }
0xba: {  	s30 =	sld [smem:$0x0];
	_ =	sdelay $0x2  }
0xbb: {  	s31 =	sshll.u32 s1, $0xD;
	s1 =	sshrl.u32 s1, $0x2  }
0xbc: {  	s3 =	sand.u32 $0x4000, s31;
	s1 =	sadd.s32 s1, s30  }
0xbd: {  	s0 =	sor.u32 s3, s0;
	s1 =	sshll.u32 s1, $0x11  }
0xbe: {  	s0 =	sor.u32 s1, s0  }
0xbf: {  	s0 =	sadd.s32 $0x8F2B, s0  }
0xc0: {  	[sflag:s0] =	ssyncadd.remote.s32 $0x1  }
0xc1: {  	_ =	sfence.sel $0xFFFF  }
0xc2: {  	[dreg:$0x0] =	wrdreg $0xFFFFFFFF;
	(pc) =	sbr.abs _section_cstart, $3  }
0xc3: {  	[dreg:$0x1] =	wrdreg $0xFFFFFFFF  }
0xc4: {  	_ =	task.clear_ibuf [dreg:s8], $0x2FFFF;
	_ =	strace $0x9FFFFFFF  }
0xc5: {  	(tm) =	ssettm $0x7FFFFFFF  }
tec
execute0_lowered:
.L_overlay_start_1:
0x0: {  	(tag) =	ssettag $0x1  }
0x1: {  	s4 =	rddreg [dreg:$0x0]  }
0x2: {  	s0 =	srdreg.scid;
	s5 =	rddreg [dreg:$0x1]  }
0x3: {  	s20 =	stileid.u32;
	s6 =	rddreg [dreg:$0x2]  }
0x4: {  	s2 =	rddreg [dreg:$0x3];
	s1 =	sand.u32 $0x1, s0;
	s19 =	smul.u32 $0x14000, s20  }
0x5: {  	s3 =	simm.s32 $0x0;
	s10 =	sadd.s32 $0x1200, s6;
	s14 =	smul.u32 $0x140000, s1  }
0x6: {  	[smem:$0x7FF] =	sst s3;
	s6 =	sadd.s32 $0xA00, s6;
	s15 =	smul.u32 $0x4E0, s1  }
0x7: {  	s0 =	sshll.u32 s1, $0x4;
	s9 =	ssub.s32 $0x2, s1;
	s1 =	smul.u32 $0x9C000, s1  }
0x8: {  	s0 =	sor.u32 s20, s0;
	s11 =	sshrl.u32 s9, $0x1;
	s16 =	sadd.s32 $0x8000, s19  }
0x9: {  	s17 =	sadd.s32 $0xC000, s19;
	s7 =	smul.u32 $0x4E, s0;
	s8 =	smin.u32 s0, $0x4  }
0xa: {  	s9 =	ssub.s32 s9, s11;
	s22 =	sadd.s32 s14, s19;
	s25 =	sadd.s32 s14, s16  }
0xb: {  	s26 =	sadd.s32 s14, s17;
	p0 =	sgt.u32 s0, $0x3;
	s7 =	sadd.s32 s8, s7  }
0xc: {  	s0 =	simm.s32 $0x4000;
	s12 =	sand.u32 $0x1FF8, s7;
	s21 =	sshll.u32 s7, $0xB  }
0xd: {  	s9 =	smax.u32 s9, $0x1;
	s18 =	smin.u32 s12, $0x970;
	s31 =	sadd.s32 s4, s21  }
0xe: {  	s12 =	sshrl.u32 s26, $0x3;
	s26 =	sshll.u32 s8, $0x9;
	s13 =	ssub.s32 s7, s18  }
0xf: {  	s11 =	sshll.u32 s18, $0x4;
	s7 =	sadd.s32 $0x4000, s19;
	s18 =	sadd.s32 $0x10000, s19  }
0x10: {  	s19 =	smul.u32 $0x4E, s20;
	s5 =	sadd.s32 s5, s11;
	s23 =	sadd.s32 s14, s7  }
0x11: {  	s14 =	sadd.s32 s14, s18;
	s7 =	sadd.s32 s7, s2;
	[dreg:$0x5] =	wrdreg s5  }
0x12: {  	s5 =	sshrl.u32 s22, $0x3;
	s11 =	sshrl.u32 s23, $0x3;
	s21 =	sshrl.u32 s14, $0x3  }
0x13: {  	s22 =	sadd.s32 s19, s15;
	s5 =	sadd.s32 s10, s5;
	s24 =	sadd.s32 s10, s11  }
0x14: {  	s23 =	sadd.s32 s8, s22;
	s8 =	sor.u32 s15, s8;
	[dreg:$0x6] =	wrdreg s5  }
0x15: {  	[dreg:$0x7] =	wrdreg s24;
	s5 =	sshrl.u32 s25, $0x3;
	s24 =	smul.u32 $0x9C00, s20  }
0x16: {  	s25 =	smul.u32 $0x50000, s20;
	s8 =	sadd.s32 s19, s8;
	s5 =	sadd.s32 s10, s5  }
0x17: {  	s22 =	sadd.s32 $0x800, s31;
	s8 =	sshll.u32 s8, $0x9;
	[dreg:$0x8] =	wrdreg s5  }
0x18: {  	s5 =	sadd.s32 s10, s12;
	s14 =	sadd.s32 s26, s24;
	s20 =	sshrl.u32 s25, $0x2  }
0x19: {  	s24 =	sadd.s32 s17, s2;
	s25 =	sadd.s32 s18, s2;
	s8 =	sand.u32 $0x1FF000, s8  }
0x1a: {  	s26 =	sshrl.u32 s1, $0x2;
	s1 =	simm.s32 $0x3;
	[dreg:$0x9] =	wrdreg s5  }
0x1b: {  	s5 =	sadd.s32 s10, s21;
	s12 =	sadd.s32 s20, s2;
	s21 =	sshll.u32 s13, $0x9  }
0x1c: {  	s24 =	sshrl.u32 s24, $0x3;
	s25 =	sshrl.u32 s25, $0x3;
	[dreg:$0xa] =	wrdreg s5  }
0x1d: {  	s5 =	sshll.u32 s23, $0xB;
	s23 =	sadd.s32 s16, s2;
	s16 =	ssub.s32 s14, s8  }
0x1e: {  	s28 =	sadd.s32 $0x8000, s12;
	s29 =	sadd.s32 $0xC000, s12;
	s30 =	sadd.s32 $0x10000, s12  }
0x1f: {  	s14 =	smov.u32 s31;
	_ =	strace $0x80000047;
	[dreg:$0xb] =	wrdreg s6  }
0x20: {  	s31 =	sadd.s32 $0x27000, s31;
	s8 =	simm.s32 $0x0;
	[dreg:$0xc] =	wrdreg s22  }
0x21: {  	s4 =	sadd.s32 s5, s4;
	[dreg:$0xd] =	wrdreg s9;
	s6 =	sshra.s32 s21, $0x2  }
0x22: {  	s21 =	sadd.s32 $0x8000, s26;
	s22 =	sshrl.u32 s7, $0x3;
	s23 =	sshrl.u32 s23, $0x3  }
0x23: {  	s26 =	sadd.s32 $0x4000, s12;
	s7 =	simm.s32 $0x2;
	s15 =	sadd.s32 $0xA700, s6  }
0x24: {  	s17 =	sadd.s32 $0xA600, s6;
	s18 =	sadd.s32 $0xA680, s6;
	s19 =	sadd.s32 $0x1800, s4  }
0x25: {  	s20 =	sadd.s32 $0x1000, s4;
	s4 =	simm.s32 $0x1;
	s6 =	simm.s32 $0x80  }
.LBB2_1:
0x26: {  	s5 =	rddreg [dreg:$0xb]  }
0x27: {  	[tilespmem:s3], [sflag:$0x3] =	stream.linear.gather [hbm4b:s5+s3], $0x4000, $0x38;
	[tilespmem:$0x1EC00] =	vst v63  }
0x28: {  	_ =	swait.ge [sflag:s1], $0x4000  }
0x29: {  	[sflag:s1] =	ssyncset.done $0x0  }
0x2a: {  	[sflag:s1] =	ssyncadd.s32 $0xFFFFC000  }
0x2b: {  	[spmem:s12] =	stream.linear.scatter [tilespmem:s3], [sflag:$0x3], $0x4000, $0x38;
	[tilespmem:$0x1EC00] =	vst v63  }
0x2c: {  	_ =	swait.ge [sflag:s1], $0x4000  }
0x2d: {  	[sflag:s1] =	ssyncset.done $0x0  }
0x2e: {  	[sflag:s1] =	ssyncadd.s32 $0xFFFFC000  }
0x2f: {  	[spmem:s26] =	stream.linear.scatter [tilespmem:s3], [sflag:$0x3], $0x4000, $0x38;
	[tilespmem:$0x1EC00] =	vst v63  }
0x30: {  	_ =	swait.ge [sflag:s1], $0x4000  }
0x31: {  	[sflag:s1] =	ssyncset.done $0x0  }
0x32: {  	[sflag:s1] =	ssyncadd.s32 $0xFFFFC000  }
0x33: {  	[spmem:s28] =	stream.linear.scatter [tilespmem:s3], [sflag:$0x3], $0x4000, $0x38;
	[tilespmem:$0x1EC00] =	vst v63  }
0x34: {  	_ =	swait.ge [sflag:s1], $0x4000  }
0x35: {  	[sflag:s1] =	ssyncset.done $0x0  }
0x36: {  	[sflag:s1] =	ssyncadd.s32 $0xFFFFC000  }
0x37: {  	[spmem:s29] =	stream.linear.scatter [tilespmem:s3], [sflag:$0x3], $0x4000, $0x38;
	[tilespmem:$0x1EC00] =	vst v63  }
0x38: {  	_ =	swait.ge [sflag:s1], $0x4000  }
0x39: {  	[sflag:s1] =	ssyncset.done $0x0  }
0x3a: {  	[sflag:s1] =	ssyncadd.s32 $0xFFFFC000  }
0x3b: {  	[spmem:s30] =	stream.linear.scatter [tilespmem:s3], [sflag:$0x3], $0x4000, $0x38;
	[tilespmem:$0x1EC00] =	vst v63  }
0x3c: {  	_ =	swait.ge [sflag:s1], $0x4000  }
0x3d: {  	[sflag:s1] =	ssyncset.done $0x0  }
0x3e: {  	s9 =	simm.s32 $0x8000;
	s13 =	rddreg [dreg:$0x5];
	[sflag:s1] =	ssyncadd.s32 $0xFFFFC000  }
0x3f: {  	[tilespmem:s9], [sflag:$0x3] =	stream.linear.gather [hbm4b:s13+s3], $0x2C00, $0x38;
	[tilespmem:$0x1EC00] =	vst v63  }
0x40: {  	_ =	swait.ge [sflag:s1], $0x2C00  }
0x41: {  	[sflag:s1] =	ssyncset.done $0x0  }
0x42: {  	[sflag:s1] =	ssyncadd.s32 $0xFFFFD400  }
0x43: {  	[bflag:$0x0] =	sbarrier.arrive $0xFFFF  }
0x44: {  	[tilespmem:s3], [sflag:$0x1] =	stream.linear.gather [hbm4b:s14+s3], $0x4000, $0x38;
	[tilespmem:$0x1EC00] =	vst v63  }
0x45: {  	s10 =	rddreg [dreg:$0xc]  }
0x46: {  	[tilespmem:s0], [sflag:$0x2] =	stream.linear.gather [hbm4b:s10+s3], $0x4000, $0x38;
	[tilespmem:$0x1EC00] =	vst v63  }
0x47: {  	_ =	swait.ge [sflag:s4], $0x4000  }
0x48: {  	s11 =	sshra.s32 s16, $0x2;
	[sflag:s4] =	ssyncset.done $0x0  }
0x49: {  	s5 =	sadd.s32 s11, s21;
	[sflag:s4] =	ssyncadd.s32 $0xFFFFC000  }
0x4a: {  	[spmem:s2] =	stream.indirect.scatter.add.f32 [tilespmem:s3], [sflag:$0x3], $0x80, s5, s6, $0xb8;
	[tilespmem:$0x1EC00] =	vst v63  }
0x4b: {  	_ =	swait.ge [sflag:s1], $0x4000  }
0x4c: {  	[sflag:s1] =	ssyncset.done $0x0  }
0x4d: {  	s13 =	sadd.s32 $0x0, s20;
	[sflag:s1] =	ssyncadd.s32 $0xFFFFC000  }
0x4e: {  	[tilespmem:s3], [sflag:$0x1] =	stream.linear.gather [hbm4b:s13+s3], $0x4000, $0x38;
	[tilespmem:$0x1EC00] =	vst v63  }
0x4f: {  	_ =	swait.ge [sflag:s7], $0x4000  }
0x50: {  	[sflag:s7] =	ssyncset.done $0x0  }
0x51: {  	s5 =	sadd.s32 $0x80, s5;
	[sflag:s7] =	ssyncadd.s32 $0xFFFFC000  }
0x52: {  	[spmem:s2] =	stream.indirect.scatter.add.f32 [tilespmem:s0], [sflag:$0x3], $0x80, s5, s6, $0xb8;
	[tilespmem:$0x1EC00] =	vst v63  }
0x53: {  	_ =	swait.ge [sflag:s1], $0x4000  }
0x54: {  	s9 =	sadd.s32 $0x400, s16;
	[sflag:s1] =	ssyncset.done $0x0  }
0x55: {  	s10 =	sadd.s32 $0x0, s19;
	s5 =	simm.s32 $0x1000;
	[sflag:s1] =	ssyncadd.s32 $0xFFFFC000  }
.LBB2_2:
0x56: {  	[tilespmem:s0], [sflag:$0x2] =	stream.linear.gather [hbm4b:s10+s3], $0x4000, $0x38;
	[tilespmem:$0x1EC00] =	vst v63  }
0x57: {  	s10 =	smov.u32 s5  }
0x58: {  	p1 =	sne.s32 s5, $0x25000;
	s5 =	sadd.s32 $0x1000, s5;
	_ =	swait.ge [sflag:s4], $0x4000  }
0x59: {  	s11 =	sshra.s32 s9, $0x2;
	[sflag:s4] =	ssyncset.done $0x0  }
0x5a: {  	s11 =	sadd.s32 s11, s21;
	[sflag:s4] =	ssyncadd.s32 $0xFFFFC000  }
0x5b: {  	[spmem:s2] =	stream.indirect.scatter.add.f32 [tilespmem:s3], [sflag:$0x3], $0x80, s11, s6, $0xb8;
	[tilespmem:$0x1EC00] =	vst v63  }
0x5c: {  	_ =	swait.ge [sflag:s1], $0x4000  }
0x5d: {  	[sflag:s1] =	ssyncset.done $0x0  }
0x5e: {  	s13 =	sadd.s32 s10, s20;
	[sflag:s1] =	ssyncadd.s32 $0xFFFFC000  }
0x5f: {  	[tilespmem:s3], [sflag:$0x1] =	stream.linear.gather [hbm4b:s13+s3], $0x4000, $0x38;
	[tilespmem:$0x1EC00] =	vst v63  }
0x60: {  	_ =	swait.ge [sflag:s7], $0x4000  }
0x61: {  	[sflag:s7] =	ssyncset.done $0x0  }
.Ltmp0:
0x62: {  	s11 =	sadd.s32 $0x80, s11;
	[sflag:s7] =	ssyncadd.s32 $0xFFFFC000;
	(pc) =	sbr.rel @p1 .LBB2_2-.Ltmp0, $4  }
0x63: {  	[spmem:s2] =	stream.indirect.scatter.add.f32 [tilespmem:s0], [sflag:$0x3], $0x80, s11, s6, $0xb8;
	[tilespmem:$0x1EC00] =	vst v63  }
0x64: {  	_ =	swait.ge [sflag:s1], $0x4000  }
0x65: {  	[sflag:s1] =	ssyncset.done $0x0  }
0x66: {  	s9 =	sadd.s32 $0x400, s9;
	s10 =	sadd.s32 s10, s19;
	[sflag:s1] =	ssyncadd.s32 $0xFFFFC000  }
0x67: {  	[tilespmem:s0], [sflag:$0x2] =	stream.linear.gather [hbm4b:s10+s3], $0x4000, $0x38;
	[tilespmem:$0x1EC00] =	vst v63  }
0x68: {  	_ =	swait.ge [sflag:s4], $0x4000  }
0x69: {  	[sflag:s4] =	ssyncset.done $0x0  }
0x6a: {  	[sflag:s4] =	ssyncadd.s32 $0xFFFFC000  }
0x6b: {  	[spmem:s2] =	stream.indirect.scatter.add.f32 [tilespmem:s3], [sflag:$0x3], $0x80, s17, s6, $0xb8;
	[tilespmem:$0x1EC00] =	vst v63  }
0x6c: {  	_ =	swait.ge [sflag:s1], $0x4000  }
0x6d: {  	[sflag:s1] =	ssyncset.done $0x0  }
0x6e: {  	s5 =	simm.s32 @p0 $0x2;
	[sflag:s1] =	ssyncadd.s32 $0xFFFFC000  }
0x6f: {  	_ =	swait.ge @p0 [sflag:s5], $0x4000  }
0x70: {  	[sflag:s5] =	ssyncset.done @p0 $0x0  }
0x71: {  	s9 =	simm.s32 @p0 $0x4000;
	[sflag:s5] =	ssyncadd.s32 @p0 $0xFFFFC000;
	s5 =	simm.s32 @p0 $0x80  }
0x72: {  	[spmem:s2] =	stream.indirect.scatter.add.f32 @p0 [tilespmem:s9], [sflag:$0x3], $0x80, s18, s5, $0xb8;
	[tilespmem:$0x1EC00] =	vst v63  }
0x73: {  	s5 =	simm.s32 @p0 $0x3  }
0x74: {  	_ =	swait.ge @p0 [sflag:s5], $0x4000  }
0x75: {  	[sflag:s5] =	ssyncset.done @p0 $0x0  }
0x76: {  	s9 =	simm.s32 @!p0 $0x2;
	[sflag:s5] =	ssyncadd.s32 @p0 $0xFFFFC000;
	s5 =	simm.s32 @!p0 $0x0  }
0x77: {  	[tilespmem:s5], [sflag:$0x1] =	stream.linear.gather @!p0 [hbm4b:s31+s5], $0x4000, $0x38;
	[tilespmem:$0x1EC00] =	vst v63  }
0x78: {  	_ =	swait.ge @!p0 [sflag:s9], $0x4000  }
0x79: {  	[sflag:s9] =	ssyncset.done @!p0 $0x0  }
0x7a: {  	s10 =	simm.s32 @!p0 $0x4000;
	[sflag:s9] =	ssyncadd.s32 @!p0 $0xFFFFC000;
	s9 =	simm.s32 @!p0 $0x80  }
0x7b: {  	[spmem:s2] =	stream.indirect.scatter.add.f32 @!p0 [tilespmem:s10], [sflag:$0x3], $0x80, s18, s9, $0xb8;
	[tilespmem:$0x1EC00] =	vst v63  }
0x7c: {  	s10 =	simm.s32 @!p0 $0x3  }
0x7d: {  	_ =	swait.ge @!p0 [sflag:s10], $0x4000  }
0x7e: {  	[sflag:s10] =	ssyncset.done @!p0 $0x0  }
0x7f: {  	s11 =	simm.s32 @!p0 $0x1;
	[sflag:s10] =	ssyncadd.s32 @!p0 $0xFFFFC000  }
0x80: {  	_ =	swait.ge @!p0 [sflag:s11], $0x4000  }
0x81: {  	[sflag:s11] =	ssyncset.done @!p0 $0x0  }
0x82: {  	[sflag:s11] =	ssyncadd.s32 @!p0 $0xFFFFC000  }
0x83: {  	[spmem:s2] =	stream.indirect.scatter.add.f32 @!p0 [tilespmem:s5], [sflag:$0x3], $0x80, s15, s9, $0xb8;
	[tilespmem:$0x1EC00] =	vst v63  }
0x84: {  	_ =	swait.ge @!p0 [sflag:s10], $0x4000  }
0x85: {  	[sflag:s10] =	ssyncset.done @!p0 $0x0  }
0x86: {  	[sflag:s10] =	ssyncadd.s32 @!p0 $0xFFFFC000;
	s10 =	stileid.u32  }
0x87: {  	s5 =	sshll.u32 s10, $0x6;
	[bflag:$0x0] =	sbarrier.arrive $0xFFFF  }
0x88: {  	s11 =	sshrl.u32 s12, $0x3;
	s5 =	sor.u32 $0x1C03, s5;
	s13 =	rddreg [dreg:$0x6]  }
0x89: {  	[hbm:s13], [sflag:s5] =	dma.local [spmem:s11], $0x800  }
0x8a: {  	_ =	swait.ge [sflag:s1], $0x800  }
0x8b: {  	[sflag:s1] =	ssyncset.done $0x0  }
0x8c: {  	s11 =	rddreg [dreg:$0x7];
	[sflag:s1] =	ssyncadd.s32 $0xFFFFF800  }
0x8d: {  	[hbm:s11], [sflag:s5] =	dma.local [spmem:s22], $0x800  }
0x8e: {  	_ =	swait.ge [sflag:s1], $0x800  }
0x8f: {  	[sflag:s1] =	ssyncset.done $0x0  }
0x90: {  	s13 =	rddreg [dreg:$0x8];
	[sflag:s1] =	ssyncadd.s32 $0xFFFFF800  }
0x91: {  	[hbm:s13], [sflag:s5] =	dma.local [spmem:s23], $0x800  }
0x92: {  	_ =	swait.ge [sflag:s1], $0x800  }
0x93: {  	[sflag:s1] =	ssyncset.done $0x0  }
0x94: {  	s10 =	rddreg [dreg:$0x9];
	[sflag:s1] =	ssyncadd.s32 $0xFFFFF800  }
0x95: {  	[hbm:s10], [sflag:s5] =	dma.local [spmem:s24], $0x800  }
0x96: {  	_ =	swait.ge [sflag:s1], $0x800  }
0x97: {  	[sflag:s1] =	ssyncset.done $0x0  }
0x98: {  	s11 =	rddreg [dreg:$0xa];
	[sflag:s1] =	ssyncadd.s32 $0xFFFFF800  }
0x99: {  	[hbm:s11], [sflag:s5] =	dma.local [spmem:s25], $0x800  }
0x9a: {  	_ =	swait.ge [sflag:s1], $0x800  }
0x9b: {  	s8 =	sadd.s32 $0x1, s8;
	s13 =	rddreg [dreg:$0xd]  }
0x9c: {  	p1 =	sne.s32 s8, s13  }
.Ltmp1:
0x9d: {  	_ = 	snop;
	(pc) =	sbr.rel @p1 .LBB2_1-.Ltmp1, $3  }
0x9e: {  	_ =	sdelay $0x1  }
0x9f: {  	[sflag:s1] =	ssyncset.done $0x0  }
0xa0: {  	[sflag:s1] =	ssyncadd.s32 $0xFFFFF800  }
0xa1: {  	_ =	sfence.sel $0x180000  }
0xa2: {  	[bflag:$0x0] =	sbarrier.arrive $0xFFFF  }
0xa3: {  	_ =	strace $0x90000047  }
0xa4: {  	s0 =	stileid.u32;
	[bflag:$0x2] =	sbarrier.arrive $0xFFFF  }
0xa5: {  	p0 =	sne.s32 s0, $0x0;
	s0 =	rddreg [dreg:$0x4]  }
0xa6: {  	s0 =	sadd.s32 @!p0 $0x100000, s0  }
0xa7: {  	[sflag:s0] =	ssyncadd.tile.s32 @!p0 $0x1;
	_ =	shalt  }
.Lfunc_end2:
_tile_overlayer_lowered:
.L_overlay_start_2:
0xa8: {  	(tag) =	ssettag $0x2  }
0xa9: {  	s0 =	rddreg [dreg:$0x0];
	s2 =	stileid.u32  }
0xaa: {  	s1 =	rddreg [dreg:$0x1];
	p0 =	sne.s32 s2, $0x0  }
0xab: {  	s3 =	rddreg [dreg:$0x2];
	[bflag:$0x3] =	sbarrier.arrive $0xFFFF;
	s2 =	simm.s32 @!p0 $0x1C03  }
0xac: {  	[timem:s3], [sflag:s2] =	dma.local @!p0 [hbm:s0], s1  }
0xad: {  	s0 =	simm.s32 @!p0 $0x3  }
0xae: {  	_ =	swait.ge @!p0 [sflag:s0], s1  }
0xaf: {  	s1 =	ssub.s32 @!p0 $0x0, s1;
	[sflag:s0] =	ssyncset.done @!p0 $0x0  }
0xb0: {  	[sflag:s0] =	ssyncadd.s32 @!p0 s1  }
0xb1: {  	[bflag:$0x3] =	sbarrier.arrive $0xFFFF  }
0xb2: {  	_ =	shalt  }

</sc_bundles>
